<compile_context>
chip_gen: v7x
topology: tpu7x:2x2x1
jax: 0.10.2.dev20260603
libtpu: 0.0.44.dev20260713+nightly
codegen_flags: <defaults>
</compile_context>

<pallas_src>
import functools

import jax
import jax.numpy as jnp
from jax import lax
from jax.experimental import pallas as pl
from jax.experimental.pallas import tpu as pltpu
from jax.experimental.pallas import tpu_sc as plsc


@functools.lru_cache(maxsize=None)
def _build_gather(R, D):
    nc = plsc.get_sparse_core_info().num_cores
    mesh = plsc.VectorSubcoreMesh(core_axis_name="c", subcore_axis_name="s")

    @functools.partial(
        pl.kernel,
        mesh=mesh,
        out_type=jax.ShapeDtypeStruct((R, D), jnp.float32),
        scratch_types=[
            pltpu.VMEM((R,), jnp.int32),
            pltpu.VMEM((R, D), jnp.float32),
            pltpu.SemaphoreType.DMA,
        ],
    )
    def sc_gather(idx_hbm, emb_hbm, out_hbm, idx_v, rows_v, sem):
        wid = lax.axis_index("s") * nc + lax.axis_index("c")

        @pl.when(wid == 0)
        def _():
            pltpu.sync_copy(idx_hbm, idx_v)
            pltpu.async_copy(emb_hbm.at[idx_v], rows_v, sem).wait()
            pltpu.sync_copy(rows_v, out_hbm)

    return sc_gather


@functools.lru_cache(maxsize=None)
def _build_concat(B, C, D, R, rows_per_step=8):
    nsteps = -(-(R + C) // rows_per_step)
    ne = min(rows_per_step, R)

    def body(*refs):
        x_refs = refs[:rows_per_step]
        e_refs = refs[rows_per_step : rows_per_step + ne]
        o_ref = refs[rows_per_step + ne]
        r = pl.program_id(0)
        ident = (
            lax.broadcasted_iota(jnp.int32, (B, B), 0)
            == lax.broadcasted_iota(jnp.int32, (B, B), 1)
        ).astype(jnp.float32)
        for k in range(rows_per_step):
            j = r * rows_per_step + k

            if k < ne:

                @pl.when(j < R)
                def _(k=k):
                    o_ref[k] = lax.dot_general(
                        jnp.full((B, 1), 1.0, dtype=jnp.float32),
                        e_refs[k][0],
                        (((1,), (0,)), ((), ())),
                        precision=lax.Precision.HIGHEST,
                        preferred_element_type=jnp.float32,
                    )

            @pl.when(j >= R)
            def _(k=k):
                o_ref[k] = lax.dot_general(
                    ident,
                    x_refs[k][0],
                    (((1,), (1,)), ((), ())),
                    precision=lax.Precision.HIGHEST,
                    preferred_element_type=jnp.float32,
                )

    def x_map(k):
        return lambda r: (
            jnp.clip(r * rows_per_step + k - R, 0, C - 1),
            0,
            0,
        )

    def e_map(k):
        return lambda r: (jnp.minimum(r * rows_per_step + k, R - 1), 0, 0)

    return pl.pallas_call(
        body,
        grid=(nsteps,),
        in_specs=[pl.BlockSpec((1, D, B), x_map(k)) for k in range(rows_per_step)]
        + [pl.BlockSpec((1, 1, D), e_map(k)) for k in range(ne)],
        out_specs=pl.BlockSpec((rows_per_step, B, D), lambda r: (r, 0, 0)),
        out_shape=jax.ShapeDtypeStruct((R + C, B, D), jnp.float32),
        compiler_params=pltpu.CompilerParams(
            dimension_semantics=("arbitrary",),
        ),
    )


def kernel(x, y, emb_table):
    B, C = x.shape[0], x.shape[1]
    R, D = emb_table.shape
    xT = jnp.transpose(x.reshape(B, C, D), (1, 2, 0))
    idx = y.reshape(-1).astype(jnp.int32)
    emb_rows = _build_gather(R, D)(idx, emb_table)
    rows_per_step = 8
    e3 = emb_rows.reshape(R, 1, D)
    outT = _build_concat(B, C, D, R, rows_per_step)(
        *([xT] * rows_per_step), *([e3] * min(rows_per_step, R))
    )
    return jnp.transpose(outT, (1, 0, 2))

# --- scband reference (transcript-rebuilt; emitter-appended) ---
"""Pipeline reference for scband-first-encoder-layer-9526237462591 (READ-ONLY COPY).

The authoritative reference and input builder live on the scoring server;
editing this copy changes nothing except your own understanding.
"""

import jax, jax.numpy as jnp
import numpy as np

B, C, H, W = 128, 196, 16, 16
NUM_REGISTERS = 5
EMB_DIM = H * W  # 256

def setup_inputs(seed: int = 0) -> dict:
    key = jax.random.key(seed)
    k1, k2, k3 = jax.random.split(key, 3)
    x = jax.random.normal(k1, (B, C, H, W), dtype=jnp.float32)
    y = jax.random.randint(k2, (1, NUM_REGISTERS), 0, NUM_REGISTERS, dtype=jnp.int64)
    # learned embedding table: nn.Embedding(num_registers, embedding_dim)
    emb_table = jax.random.normal(k3, (NUM_REGISTERS, EMB_DIM), dtype=jnp.float32)
    return {"x": x, "y": y, "emb_table": emb_table}

def reference(x, y, emb_table):
    # Faithful to first_encoder_layer.forward with y provided:
    #   embeddings = self.embedding(y)          -> table gather
    #   x = x.view(B, C, embedding_dim)
    #   return torch.cat((embeddings.repeat(B, 1, 1), x), 1)
    Bx = x.shape[0]
    Cx = x.shape[1]
    embeddings = jnp.take(emb_table, y, axis=0)  # [1, R, D]
    x_flat = x.reshape(Bx, Cx, EMB_DIM)
    emb_rep = jnp.tile(embeddings, (Bx, 1, 1))  # [B, R, D]
    return jnp.concatenate((emb_rep, x_flat), axis=1)

if __name__ == "__main__":
    import jax
    _d = setup_inputs()
    print(jax.jit(kernel)(*tuple(_d.values())))

</pallas_src>

<mosaic_0001>
#map = affine_map<(d0, d1) -> (0)>
#map1 = affine_map<(d0, d1) -> (0, 0)>
module attributes {stable_mosaic.version = 14 : i64} {
  func.func @sc_gather(%arg0: i32, %arg1: i32, %arg2: memref<5xi32, #tpu.memory_space<hbm>>, %arg3: memref<5x256xf32, #tpu.memory_space<hbm>>, %arg4: memref<5x256xf32, #tpu.memory_space<hbm>>, %arg5: memref<5xi32, #tpu.memory_space<vmem>>, %arg6: memref<5x256xf32, #tpu.memory_space<vmem>>, %arg7: memref<!tpu.dma_semaphore, #tpu.memory_space<semaphore_mem>>) attributes {dimension_semantics = [#tpu.dimension_semantics<core_parallel>, #tpu.dimension_semantics<subcore_parallel>], iteration_bounds = array<i64: 2, 16>, scalar_prefetch = 0 : i64, scratch_operands = 3 : i64, tpu.core_type = #tpu.core_type<sc_vector_subcore>, window_params = [{transform_indices = #map}, {transform_indices = #map1}, {transform_indices = #map1}]} {
    %mul3A = arith.constant 2 : i32
    %mul3A_0 = arith.muli %arg1, %mul3A : i32
    %add3A = arith.addi %mul3A_0, %arg0 : i32
    %eq3A = arith.constant 0 : i32
    %eq3A_1 = arith.cmpi eq, %add3A, %eq3A : i32
    %convert_element_type3A = arith.extui %eq3A_1 : i1 to i32
    %cond3A = arith.constant 0 : i32
    %cond3A_2 = arith.cmpi ne, %convert_element_type3A, %cond3A : i32
    scf.if %cond3A_2 {
      "tpu.region"() ({
        %run_scoped3A = tpu.sem_alloc : memref<!tpu.dma_semaphore, #tpu.memory_space<semaphore_mem>>
        tpu.enqueue_dma source(%arg2 : memref<5xi32, #tpu.memory_space<hbm>>) target(%arg5 : memref<5xi32, #tpu.memory_space<vmem>>) target_semaphore(%run_scoped3A : memref<!tpu.dma_semaphore, #tpu.memory_space<semaphore_mem>>)
        tpu.wait_dma2 semaphore(%run_scoped3A : memref<!tpu.dma_semaphore, #tpu.memory_space<semaphore_mem>>) src(%arg2 : memref<5xi32, #tpu.memory_space<hbm>>) dst(%arg5 : memref<5xi32, #tpu.memory_space<vmem>>)
        tpu.yield
      }) : () -> ()
      %dma_start3A = arith.constant 0 : i32
      %dma_start3A_3 = arith.constant 0 : i32
      %dma_start3A_4 = tpu.memref_slice %arg3[%dma_start3A, %dma_start3A_3] : memref<5x256xf32, #tpu.memory_space<hbm>> -> memref<5x256xf32, #tpu.memory_space<hbm>>
      tpu.enqueue_indirect_dma source(%dma_start3A_4 : memref<5x256xf32, #tpu.memory_space<hbm>>) target(%arg6 : memref<5x256xf32, #tpu.memory_space<vmem>>) offsets(%arg5 : memref<5xi32, #tpu.memory_space<vmem>>) semaphore(%arg7 : memref<!tpu.dma_semaphore, #tpu.memory_space<semaphore_mem>>)
      %dma_wait3A = arith.constant 0 : i32
      %dma_wait3A_5 = arith.constant 0 : i32
      %dma_wait3A_6 = tpu.memref_slice %arg3[%dma_wait3A, %dma_wait3A_5] : memref<5x256xf32, #tpu.memory_space<hbm>> -> memref<5x256xf32, #tpu.memory_space<hbm>>
      tpu.wait_indirect_dma semaphore(%arg7 : memref<!tpu.dma_semaphore, #tpu.memory_space<semaphore_mem>>) src(%dma_wait3A_6 : memref<5x256xf32, #tpu.memory_space<hbm>>) dst(%arg6 : memref<5x256xf32, #tpu.memory_space<vmem>>)
      "tpu.region"() ({
        %run_scoped3A = tpu.sem_alloc : memref<!tpu.dma_semaphore, #tpu.memory_space<semaphore_mem>>
        tpu.enqueue_dma source(%arg6 : memref<5x256xf32, #tpu.memory_space<vmem>>) target(%arg4 : memref<5x256xf32, #tpu.memory_space<hbm>>) target_semaphore(%run_scoped3A : memref<!tpu.dma_semaphore, #tpu.memory_space<semaphore_mem>>)
        tpu.wait_dma2 semaphore(%run_scoped3A : memref<!tpu.dma_semaphore, #tpu.memory_space<semaphore_mem>>) src(%arg6 : memref<5x256xf32, #tpu.memory_space<vmem>>) dst(%arg4 : memref<5x256xf32, #tpu.memory_space<hbm>>)
        tpu.yield
      }) : () -> ()
    } else {
    }
    return
  }
}

module attributes {stable_mosaic.version = 14 : i64} {
  func.func @body(%arg0: i32, %arg1: memref<1x256x128xf32, #tpu.memory_space<vmem>>, %arg2: memref<1x256x128xf32, #tpu.memory_space<vmem>>, %arg3: memref<1x256x128xf32, #tpu.memory_space<vmem>>, %arg4: memref<1x256x128xf32, #tpu.memory_space<vmem>>, %arg5: memref<1x256x128xf32, #tpu.memory_space<vmem>>, %arg6: memref<1x256x128xf32, #tpu.memory_space<vmem>>, %arg7: memref<1x256x128xf32, #tpu.memory_space<vmem>>, %arg8: memref<1x256x128xf32, #tpu.memory_space<vmem>>, %arg9: memref<1x1x256xf32, #tpu.memory_space<vmem>>, %arg10: memref<1x1x256xf32, #tpu.memory_space<vmem>>, %arg11: memref<1x1x256xf32, #tpu.memory_space<vmem>>, %arg12: memref<1x1x256xf32, #tpu.memory_space<vmem>>, %arg13: memref<1x1x256xf32, #tpu.memory_space<vmem>>, %arg14: memref<8x128x256xf32, #tpu.memory_space<vmem>>) attributes {dimension_semantics = [#tpu.dimension_semantics<arbitrary>], iteration_bounds = array<i64: 26>, scalar_prefetch = 0 : i64, scratch_operands = 0 : i64, tpu.core_type = #tpu.core_type<tc>, window_params = [{transform_indices = @transform_0, window_bounds = array<i64: 1, 256, 128>}, {transform_indices = @transform_1, window_bounds = array<i64: 1, 256, 128>}, {transform_indices = @transform_2, window_bounds = array<i64: 1, 256, 128>}, {transform_indices = @transform_3, window_bounds = array<i64: 1, 256, 128>}, {transform_indices = @transform_4, window_bounds = array<i64: 1, 256, 128>}, {transform_indices = @transform_5, window_bounds = array<i64: 1, 256, 128>}, {transform_indices = @transform_6, window_bounds = array<i64: 1, 256, 128>}, {transform_indices = @transform_7, window_bounds = array<i64: 1, 256, 128>}, {transform_indices = @transform_8, window_bounds = array<i64: 1, 1, 256>}, {transform_indices = @transform_9, window_bounds = array<i64: 1, 1, 256>}, {transform_indices = @transform_10, window_bounds = array<i64: 1, 1, 256>}, {transform_indices = @transform_11, window_bounds = array<i64: 1, 1, 256>}, {transform_indices = @transform_12, window_bounds = array<i64: 1, 1, 256>}, {transform_indices = @transform_13, window_bounds = array<i64: 8, 128, 256>}]} {
    %iota3A = tpu.iota {dimensions = array<i32: 0>} : vector<128x128xi32>
    %iota3A_0 = tpu.iota {dimensions = array<i32: 1>} : vector<128x128xi32>
    %eq3A = arith.cmpi eq, %iota3A, %iota3A_0 : vector<128x128xi32>
    %convert_element_type3A = arith.extui %eq3A : vector<128x128xi1> to vector<128x128xi32>
    %convert_element_type3A_1 = arith.sitofp %convert_element_type3A : vector<128x128xi32> to vector<128x128xf32>
    %mul3A = arith.constant 8 : i32
    %mul3A_2 = arith.muli %arg0, %mul3A : i32
    %add3A = arith.constant 0 : i32
    %add3A_3 = arith.addi %mul3A_2, %add3A : i32
    %lt3A = arith.constant 5 : i32
    %lt3A_4 = arith.cmpi slt, %add3A_3, %lt3A : i32
    %convert_element_type3A_5 = arith.extui %lt3A_4 : i1 to i32
    %cond3A = arith.constant 0 : i32
    %cond3A_6 = arith.cmpi ne, %convert_element_type3A_5, %cond3A : i32
    scf.if %cond3A_6 {
      %broadcast_in_dim3A = arith.constant 1.000000e+00 : f32
      %broadcast_in_dim3A_94 = vector.broadcast %broadcast_in_dim3A : f32 to vector<128x1xf32>
      %get3A = arith.constant 0 : index
      %get3A_95 = arith.constant 0 : index
      %get3A_96 = arith.constant 0 : index
      %get3A_97 = vector.load %arg9[%get3A, %get3A_95, %get3A_96] : memref<1x1x256xf32, #tpu.memory_space<vmem>>, vector<1x1x256xf32>
      %get3A_98 = vector.shape_cast %get3A_97 : vector<1x1x256xf32> to vector<1x256xf32>
      %dot_general3A = arith.constant dense<0.000000e+00> : vector<128x256xf32>
      %dot_general3A_99 = tpu.matmul %broadcast_in_dim3A_94, %get3A_98, %dot_general3A {dimension_numbers = #tpu.dot_dimension_numbers<[1], [0], [0], [1], [0, 0, 1, 1], [], []>, precision = #tpu.contract_precision<fp32>, transpose_lhs_hint = false} : vector<128x1xf32>, vector<1x256xf32>, vector<128x256xf32> -> vector<128x256xf32>
      %swap3A = arith.constant 0 : index
      %swap3A_100 = arith.constant 0 : index
      %swap3A_101 = arith.constant 0 : index
      %swap3A_102 = vector.load %arg14[%swap3A, %swap3A_100, %swap3A_101] : memref<8x128x256xf32, #tpu.memory_space<vmem>>, vector<1x128x256xf32>
      %swap3A_103 = vector.shape_cast %swap3A_102 : vector<1x128x256xf32> to vector<128x256xf32>
      %swap3A_104 = vector.shape_cast %dot_general3A_99 : vector<128x256xf32> to vector<1x128x256xf32>
      tpu.vector_store %arg14[%swap3A, %swap3A_100, %swap3A_101], %swap3A_104 {strides = array<i32>} : memref<8x128x256xf32, #tpu.memory_space<vmem>>, vector<1x128x256xf32>,
    } else {
    }
    %ge3A = arith.constant 5 : i32
    %ge3A_7 = arith.cmpi sge, %add3A_3, %ge3A : i32
    %convert_element_type3A_8 = arith.extui %ge3A_7 : i1 to i32
    %cond3A_9 = arith.constant 0 : i32
    %cond3A_10 = arith.cmpi ne, %convert_element_type3A_8, %cond3A_9 : i32
    scf.if %cond3A_10 {
      %get3A = arith.constant 0 : index
      %get3A_94 = arith.constant 0 : index
      %get3A_95 = arith.constant 0 : index
      %get3A_96 = vector.load %arg1[%get3A, %get3A_94, %get3A_95] : memref<1x256x128xf32, #tpu.memory_space<vmem>>, vector<1x256x128xf32>
      %get3A_97 = vector.shape_cast %get3A_96 : vector<1x256x128xf32> to vector<256x128xf32>
      %dot_general3A = arith.constant dense<0.000000e+00> : vector<128x256xf32>
      %dot_general3A_98 = tpu.matmul %convert_element_type3A_1, %get3A_97, %dot_general3A {dimension_numbers = #tpu.dot_dimension_numbers<[1], [1], [0], [0], [0, 0, 1, 0], [], []>, precision = #tpu.contract_precision<fp32>, transpose_lhs_hint = false} : vector<128x128xf32>, vector<256x128xf32>, vector<128x256xf32> -> vector<128x256xf32>
      %swap3A = arith.constant 0 : index
      %swap3A_99 = arith.constant 0 : index
      %swap3A_100 = arith.constant 0 : index
      %swap3A_101 = vector.load %arg14[%swap3A, %swap3A_99, %swap3A_100] : memref<8x128x256xf32, #tpu.memory_space<vmem>>, vector<1x128x256xf32>
      %swap3A_102 = vector.shape_cast %swap3A_101 : vector<1x128x256xf32> to vector<128x256xf32>
      %swap3A_103 = vector.shape_cast %dot_general3A_98 : vector<128x256xf32> to vector<1x128x256xf32>
      tpu.vector_store %arg14[%swap3A, %swap3A_99, %swap3A_100], %swap3A_103 {strides = array<i32>} : memref<8x128x256xf32, #tpu.memory_space<vmem>>, vector<1x128x256xf32>,
    } else {
    }
    %mul3A_11 = arith.constant 8 : i32
    %mul3A_12 = arith.muli %arg0, %mul3A_11 : i32
    %add3A_13 = arith.constant 1 : i32
    %add3A_14 = arith.addi %mul3A_12, %add3A_13 : i32
    %lt3A_15 = arith.constant 5 : i32
    %lt3A_16 = arith.cmpi slt, %add3A_14, %lt3A_15 : i32
    %convert_element_type3A_17 = arith.extui %lt3A_16 : i1 to i32
    %cond3A_18 = arith.constant 0 : i32
    %cond3A_19 = arith.cmpi ne, %convert_element_type3A_17, %cond3A_18 : i32
    scf.if %cond3A_19 {
      %broadcast_in_dim3A = arith.constant 1.000000e+00 : f32
      %broadcast_in_dim3A_94 = vector.broadcast %broadcast_in_dim3A : f32 to vector<128x1xf32>
      %get3A = arith.constant 0 : index
      %get3A_95 = arith.constant 0 : index
      %get3A_96 = arith.constant 0 : index
      %get3A_97 = vector.load %arg10[%get3A, %get3A_95, %get3A_96] : memref<1x1x256xf32, #tpu.memory_space<vmem>>, vector<1x1x256xf32>
      %get3A_98 = vector.shape_cast %get3A_97 : vector<1x1x256xf32> to vector<1x256xf32>
      %dot_general3A = arith.constant dense<0.000000e+00> : vector<128x256xf32>
      %dot_general3A_99 = tpu.matmul %broadcast_in_dim3A_94, %get3A_98, %dot_general3A {dimension_numbers = #tpu.dot_dimension_numbers<[1], [0], [0], [1], [0, 0, 1, 1], [], []>, precision = #tpu.contract_precision<fp32>, transpose_lhs_hint = false} : vector<128x1xf32>, vector<1x256xf32>, vector<128x256xf32> -> vector<128x256xf32>
      %swap3A = arith.constant 1 : index
      %swap3A_100 = arith.constant 0 : index
      %swap3A_101 = arith.constant 0 : index
      %swap3A_102 = vector.load %arg14[%swap3A, %swap3A_100, %swap3A_101] : memref<8x128x256xf32, #tpu.memory_space<vmem>>, vector<1x128x256xf32>
      %swap3A_103 = vector.shape_cast %swap3A_102 : vector<1x128x256xf32> to vector<128x256xf32>
      %swap3A_104 = vector.shape_cast %dot_general3A_99 : vector<128x256xf32> to vector<1x128x256xf32>
      tpu.vector_store %arg14[%swap3A, %swap3A_100, %swap3A_101], %swap3A_104 {strides = array<i32>} : memref<8x128x256xf32, #tpu.memory_space<vmem>>, vector<1x128x256xf32>,
    } else {
    }
    %ge3A_20 = arith.constant 5 : i32
    %ge3A_21 = arith.cmpi sge, %add3A_14, %ge3A_20 : i32
    %convert_element_type3A_22 = arith.extui %ge3A_21 : i1 to i32
    %cond3A_23 = arith.constant 0 : i32
    %cond3A_24 = arith.cmpi ne, %convert_element_type3A_22, %cond3A_23 : i32
    scf.if %cond3A_24 {
      %get3A = arith.constant 0 : index
      %get3A_94 = arith.constant 0 : index
      %get3A_95 = arith.constant 0 : index
      %get3A_96 = vector.load %arg2[%get3A, %get3A_94, %get3A_95] : memref<1x256x128xf32, #tpu.memory_space<vmem>>, vector<1x256x128xf32>
      %get3A_97 = vector.shape_cast %get3A_96 : vector<1x256x128xf32> to vector<256x128xf32>
      %dot_general3A = arith.constant dense<0.000000e+00> : vector<128x256xf32>
      %dot_general3A_98 = tpu.matmul %convert_element_type3A_1, %get3A_97, %dot_general3A {dimension_numbers = #tpu.dot_dimension_numbers<[1], [1], [0], [0], [0, 0, 1, 0], [], []>, precision = #tpu.contract_precision<fp32>, transpose_lhs_hint = false} : vector<128x128xf32>, vector<256x128xf32>, vector<128x256xf32> -> vector<128x256xf32>
      %swap3A = arith.constant 1 : index
      %swap3A_99 = arith.constant 0 : index
      %swap3A_100 = arith.constant 0 : index
      %swap3A_101 = vector.load %arg14[%swap3A, %swap3A_99, %swap3A_100] : memref<8x128x256xf32, #tpu.memory_space<vmem>>, vector<1x128x256xf32>
      %swap3A_102 = vector.shape_cast %swap3A_101 : vector<1x128x256xf32> to vector<128x256xf32>
      %swap3A_103 = vector.shape_cast %dot_general3A_98 : vector<128x256xf32> to vector<1x128x256xf32>
      tpu.vector_store %arg14[%swap3A, %swap3A_99, %swap3A_100], %swap3A_103 {strides = array<i32>} : memref<8x128x256xf32, #tpu.memory_space<vmem>>, vector<1x128x256xf32>,
    } else {
    }
    %mul3A_25 = arith.constant 8 : i32
    %mul3A_26 = arith.muli %arg0, %mul3A_25 : i32
    %add3A_27 = arith.constant 2 : i32
    %add3A_28 = arith.addi %mul3A_26, %add3A_27 : i32
    %lt3A_29 = arith.constant 5 : i32
    %lt3A_30 = arith.cmpi slt, %add3A_28, %lt3A_29 : i32
    %convert_element_type3A_31 = arith.extui %lt3A_30 : i1 to i32
    %cond3A_32 = arith.constant 0 : i32
    %cond3A_33 = arith.cmpi ne, %convert_element_type3A_31, %cond3A_32 : i32
    scf.if %cond3A_33 {
      %broadcast_in_dim3A = arith.constant 1.000000e+00 : f32
      %broadcast_in_dim3A_94 = vector.broadcast %broadcast_in_dim3A : f32 to vector<128x1xf32>
      %get3A = arith.constant 0 : index
      %get3A_95 = arith.constant 0 : index
      %get3A_96 = arith.constant 0 : index
      %get3A_97 = vector.load %arg11[%get3A, %get3A_95, %get3A_96] : memref<1x1x256xf32, #tpu.memory_space<vmem>>, vector<1x1x256xf32>
      %get3A_98 = vector.shape_cast %get3A_97 : vector<1x1x256xf32> to vector<1x256xf32>
      %dot_general3A = arith.constant dense<0.000000e+00> : vector<128x256xf32>
      %dot_general3A_99 = tpu.matmul %broadcast_in_dim3A_94, %get3A_98, %dot_general3A {dimension_numbers = #tpu.dot_dimension_numbers<[1], [0], [0], [1], [0, 0, 1, 1], [], []>, precision = #tpu.contract_precision<fp32>, transpose_lhs_hint = false} : vector<128x1xf32>, vector<1x256xf32>, vector<128x256xf32> -> vector<128x256xf32>
      %swap3A = arith.constant 2 : index
      %swap3A_100 = arith.constant 0 : index
      %swap3A_101 = arith.constant 0 : index
      %swap3A_102 = vector.load %arg14[%swap3A, %swap3A_100, %swap3A_101] : memref<8x128x256xf32, #tpu.memory_space<vmem>>, vector<1x128x256xf32>
      %swap3A_103 = vector.shape_cast %swap3A_102 : vector<1x128x256xf32> to vector<128x256xf32>
      %swap3A_104 = vector.shape_cast %dot_general3A_99 : vector<128x256xf32> to vector<1x128x256xf32>
      tpu.vector_store %arg14[%swap3A, %swap3A_100, %swap3A_101], %swap3A_104 {strides = array<i32>} : memref<8x128x256xf32, #tpu.memory_space<vmem>>, vector<1x128x256xf32>,
    } else {
    }
    %ge3A_34 = arith.constant 5 : i32
    %ge3A_35 = arith.cmpi sge, %add3A_28, %ge3A_34 : i32
    %convert_element_type3A_36 = arith.extui %ge3A_35 : i1 to i32
    %cond3A_37 = arith.constant 0 : i32
    %cond3A_38 = arith.cmpi ne, %convert_element_type3A_36, %cond3A_37 : i32
    scf.if %cond3A_38 {
      %get3A = arith.constant 0 : index
      %get3A_94 = arith.constant 0 : index
      %get3A_95 = arith.constant 0 : index
      %get3A_96 = vector.load %arg3[%get3A, %get3A_94, %get3A_95] : memref<1x256x128xf32, #tpu.memory_space<vmem>>, vector<1x256x128xf32>
      %get3A_97 = vector.shape_cast %get3A_96 : vector<1x256x128xf32> to vector<256x128xf32>
      %dot_general3A = arith.constant dense<0.000000e+00> : vector<128x256xf32>
      %dot_general3A_98 = tpu.matmul %convert_element_type3A_1, %get3A_97, %dot_general3A {dimension_numbers = #tpu.dot_dimension_numbers<[1], [1], [0], [0], [0, 0, 1, 0], [], []>, precision = #tpu.contract_precision<fp32>, transpose_lhs_hint = false} : vector<128x128xf32>, vector<256x128xf32>, vector<128x256xf32> -> vector<128x256xf32>
      %swap3A = arith.constant 2 : index
      %swap3A_99 = arith.constant 0 : index
      %swap3A_100 = arith.constant 0 : index
      %swap3A_101 = vector.load %arg14[%swap3A, %swap3A_99, %swap3A_100] : memref<8x128x256xf32, #tpu.memory_space<vmem>>, vector<1x128x256xf32>
      %swap3A_102 = vector.shape_cast %swap3A_101 : vector<1x128x256xf32> to vector<128x256xf32>
      %swap3A_103 = vector.shape_cast %dot_general3A_98 : vector<128x256xf32> to vector<1x128x256xf32>
      tpu.vector_store %arg14[%swap3A, %swap3A_99, %swap3A_100], %swap3A_103 {strides = array<i32>} : memref<8x128x256xf32, #tpu.memory_space<vmem>>, vector<1x128x256xf32>,
    } else {
    }
    %mul3A_39 = arith.constant 8 : i32
    %mul3A_40 = arith.muli %arg0, %mul3A_39 : i32
    %add3A_41 = arith.constant 3 : i32
    %add3A_42 = arith.addi %mul3A_40, %add3A_41 : i32
    %lt3A_43 = arith.constant 5 : i32
    %lt3A_44 = arith.cmpi slt, %add3A_42, %lt3A_43 : i32
    %convert_element_type3A_45 = arith.extui %lt3A_44 : i1 to i32
    %cond3A_46 = arith.constant 0 : i32
    %cond3A_47 = arith.cmpi ne, %convert_element_type3A_45, %cond3A_46 : i32
    scf.if %cond3A_47 {
      %broadcast_in_dim3A = arith.constant 1.000000e+00 : f32
      %broadcast_in_dim3A_94 = vector.broadcast %broadcast_in_dim3A : f32 to vector<128x1xf32>
      %get3A = arith.constant 0 : index
      %get3A_95 = arith.constant 0 : index
      %get3A_96 = arith.constant 0 : index
      %get3A_97 = vector.load %arg12[%get3A, %get3A_95, %get3A_96] : memref<1x1x256xf32, #tpu.memory_space<vmem>>, vector<1x1x256xf32>
      %get3A_98 = vector.shape_cast %get3A_97 : vector<1x1x256xf32> to vector<1x256xf32>
      %dot_general3A = arith.constant dense<0.000000e+00> : vector<128x256xf32>
      %dot_general3A_99 = tpu.matmul %broadcast_in_dim3A_94, %get3A_98, %dot_general3A {dimension_numbers = #tpu.dot_dimension_numbers<[1], [0], [0], [1], [0, 0, 1, 1], [], []>, precision = #tpu.contract_precision<fp32>, transpose_lhs_hint = false} : vector<128x1xf32>, vector<1x256xf32>, vector<128x256xf32> -> vector<128x256xf32>
      %swap3A = arith.constant 3 : index
      %swap3A_100 = arith.constant 0 : index
      %swap3A_101 = arith.constant 0 : index
      %swap3A_102 = vector.load %arg14[%swap3A, %swap3A_100, %swap3A_101] : memref<8x128x256xf32, #tpu.memory_space<vmem>>, vector<1x128x256xf32>
      %swap3A_103 = vector.shape_cast %swap3A_102 : vector<1x128x256xf32> to vector<128x256xf32>
      %swap3A_104 = vector.shape_cast %dot_general3A_99 : vector<128x256xf32> to vector<1x128x256xf32>
      tpu.vector_store %arg14[%swap3A, %swap3A_100, %swap3A_101], %swap3A_104 {strides = array<i32>} : memref<8x128x256xf32, #tpu.memory_space<vmem>>, vector<1x128x256xf32>,
    } else {
    }
    %ge3A_48 = arith.constant 5 : i32
    %ge3A_49 = arith.cmpi sge, %add3A_42, %ge3A_48 : i32
    %convert_element_type3A_50 = arith.extui %ge3A_49 : i1 to i32
    %cond3A_51 = arith.constant 0 : i32
    %cond3A_52 = arith.cmpi ne, %convert_element_type3A_50, %cond3A_51 : i32
    scf.if %cond3A_52 {
      %get3A = arith.constant 0 : index
      %get3A_94 = arith.constant 0 : index
      %get3A_95 = arith.constant 0 : index
      %get3A_96 = vector.load %arg4[%get3A, %get3A_94, %get3A_95] : memref<1x256x128xf32, #tpu.memory_space<vmem>>, vector<1x256x128xf32>
      %get3A_97 = vector.shape_cast %get3A_96 : vector<1x256x128xf32> to vector<256x128xf32>
      %dot_general3A = arith.constant dense<0.000000e+00> : vector<128x256xf32>
      %dot_general3A_98 = tpu.matmul %convert_element_type3A_1, %get3A_97, %dot_general3A {dimension_numbers = #tpu.dot_dimension_numbers<[1], [1], [0], [0], [0, 0, 1, 0], [], []>, precision = #tpu.contract_precision<fp32>, transpose_lhs_hint = false} : vector<128x128xf32>, vector<256x128xf32>, vector<128x256xf32> -> vector<128x256xf32>
      %swap3A = arith.constant 3 : index
      %swap3A_99 = arith.constant 0 : index
      %swap3A_100 = arith.constant 0 : index
      %swap3A_101 = vector.load %arg14[%swap3A, %swap3A_99, %swap3A_100] : memref<8x128x256xf32, #tpu.memory_space<vmem>>, vector<1x128x256xf32>
      %swap3A_102 = vector.shape_cast %swap3A_101 : vector<1x128x256xf32> to vector<128x256xf32>
      %swap3A_103 = vector.shape_cast %dot_general3A_98 : vector<128x256xf32> to vector<1x128x256xf32>
      tpu.vector_store %arg14[%swap3A, %swap3A_99, %swap3A_100], %swap3A_103 {strides = array<i32>} : memref<8x128x256xf32, #tpu.memory_space<vmem>>, vector<1x128x256xf32>,
    } else {
    }
    %mul3A_53 = arith.constant 8 : i32
    %mul3A_54 = arith.muli %arg0, %mul3A_53 : i32
    %add3A_55 = arith.constant 4 : i32
    %add3A_56 = arith.addi %mul3A_54, %add3A_55 : i32
    %lt3A_57 = arith.constant 5 : i32
    %lt3A_58 = arith.cmpi slt, %add3A_56, %lt3A_57 : i32
    %convert_element_type3A_59 = arith.extui %lt3A_58 : i1 to i32
    %cond3A_60 = arith.constant 0 : i32
    %cond3A_61 = arith.cmpi ne, %convert_element_type3A_59, %cond3A_60 : i32
    scf.if %cond3A_61 {
      %broadcast_in_dim3A = arith.constant 1.000000e+00 : f32
      %broadcast_in_dim3A_94 = vector.broadcast %broadcast_in_dim3A : f32 to vector<128x1xf32>
      %get3A = arith.constant 0 : index
      %get3A_95 = arith.constant 0 : index
      %get3A_96 = arith.constant 0 : index
      %get3A_97 = vector.load %arg13[%get3A, %get3A_95, %get3A_96] : memref<1x1x256xf32, #tpu.memory_space<vmem>>, vector<1x1x256xf32>
      %get3A_98 = vector.shape_cast %get3A_97 : vector<1x1x256xf32> to vector<1x256xf32>
      %dot_general3A = arith.constant dense<0.000000e+00> : vector<128x256xf32>
      %dot_general3A_99 = tpu.matmul %broadcast_in_dim3A_94, %get3A_98, %dot_general3A {dimension_numbers = #tpu.dot_dimension_numbers<[1], [0], [0], [1], [0, 0, 1, 1], [], []>, precision = #tpu.contract_precision<fp32>, transpose_lhs_hint = false} : vector<128x1xf32>, vector<1x256xf32>, vector<128x256xf32> -> vector<128x256xf32>
      %swap3A = arith.constant 4 : index
      %swap3A_100 = arith.constant 0 : index
      %swap3A_101 = arith.constant 0 : index
      %swap3A_102 = vector.load %arg14[%swap3A, %swap3A_100, %swap3A_101] : memref<8x128x256xf32, #tpu.memory_space<vmem>>, vector<1x128x256xf32>
      %swap3A_103 = vector.shape_cast %swap3A_102 : vector<1x128x256xf32> to vector<128x256xf32>
      %swap3A_104 = vector.shape_cast %dot_general3A_99 : vector<128x256xf32> to vector<1x128x256xf32>
      tpu.vector_store %arg14[%swap3A, %swap3A_100, %swap3A_101], %swap3A_104 {strides = array<i32>} : memref<8x128x256xf32, #tpu.memory_space<vmem>>, vector<1x128x256xf32>,
    } else {
    }
    %ge3A_62 = arith.constant 5 : i32
    %ge3A_63 = arith.cmpi sge, %add3A_56, %ge3A_62 : i32
    %convert_element_type3A_64 = arith.extui %ge3A_63 : i1 to i32
    %cond3A_65 = arith.constant 0 : i32
    %cond3A_66 = arith.cmpi ne, %convert_element_type3A_64, %cond3A_65 : i32
    scf.if %cond3A_66 {
      %get3A = arith.constant 0 : index
      %get3A_94 = arith.constant 0 : index
      %get3A_95 = arith.constant 0 : index
      %get3A_96 = vector.load %arg5[%get3A, %get3A_94, %get3A_95] : memref<1x256x128xf32, #tpu.memory_space<vmem>>, vector<1x256x128xf32>
      %get3A_97 = vector.shape_cast %get3A_96 : vector<1x256x128xf32> to vector<256x128xf32>
      %dot_general3A = arith.constant dense<0.000000e+00> : vector<128x256xf32>
      %dot_general3A_98 = tpu.matmul %convert_element_type3A_1, %get3A_97, %dot_general3A {dimension_numbers = #tpu.dot_dimension_numbers<[1], [1], [0], [0], [0, 0, 1, 0], [], []>, precision = #tpu.contract_precision<fp32>, transpose_lhs_hint = false} : vector<128x128xf32>, vector<256x128xf32>, vector<128x256xf32> -> vector<128x256xf32>
      %swap3A = arith.constant 4 : index
      %swap3A_99 = arith.constant 0 : index
      %swap3A_100 = arith.constant 0 : index
      %swap3A_101 = vector.load %arg14[%swap3A, %swap3A_99, %swap3A_100] : memref<8x128x256xf32, #tpu.memory_space<vmem>>, vector<1x128x256xf32>
      %swap3A_102 = vector.shape_cast %swap3A_101 : vector<1x128x256xf32> to vector<128x256xf32>
      %swap3A_103 = vector.shape_cast %dot_general3A_98 : vector<128x256xf32> to vector<1x128x256xf32>
      tpu.vector_store %arg14[%swap3A, %swap3A_99, %swap3A_100], %swap3A_103 {strides = array<i32>} : memref<8x128x256xf32, #tpu.memory_space<vmem>>, vector<1x128x256xf32>,
    } else {
    }
    %mul3A_67 = arith.constant 8 : i32
    %mul3A_68 = arith.muli %arg0, %mul3A_67 : i32
    %add3A_69 = arith.constant 5 : i32
    %add3A_70 = arith.addi %mul3A_68, %add3A_69 : i32
    %ge3A_71 = arith.constant 5 : i32
    %ge3A_72 = arith.cmpi sge, %add3A_70, %ge3A_71 : i32
    %convert_element_type3A_73 = arith.extui %ge3A_72 : i1 to i32
    %cond3A_74 = arith.constant 0 : i32
    %cond3A_75 = arith.cmpi ne, %convert_element_type3A_73, %cond3A_74 : i32
    scf.if %cond3A_75 {
      %get3A = arith.constant 0 : index
      %get3A_94 = arith.constant 0 : index
      %get3A_95 = arith.constant 0 : index
      %get3A_96 = vector.load %arg6[%get3A, %get3A_94, %get3A_95] : memref<1x256x128xf32, #tpu.memory_space<vmem>>, vector<1x256x128xf32>
      %get3A_97 = vector.shape_cast %get3A_96 : vector<1x256x128xf32> to vector<256x128xf32>
      %dot_general3A = arith.constant dense<0.000000e+00> : vector<128x256xf32>
      %dot_general3A_98 = tpu.matmul %convert_element_type3A_1, %get3A_97, %dot_general3A {dimension_numbers = #tpu.dot_dimension_numbers<[1], [1], [0], [0], [0, 0, 1, 0], [], []>, precision = #tpu.contract_precision<fp32>, transpose_lhs_hint = false} : vector<128x128xf32>, vector<256x128xf32>, vector<128x256xf32> -> vector<128x256xf32>
      %swap3A = arith.constant 5 : index
      %swap3A_99 = arith.constant 0 : index
      %swap3A_100 = arith.constant 0 : index
      %swap3A_101 = vector.load %arg14[%swap3A, %swap3A_99, %swap3A_100] : memref<8x128x256xf32, #tpu.memory_space<vmem>>, vector<1x128x256xf32>
      %swap3A_102 = vector.shape_cast %swap3A_101 : vector<1x128x256xf32> to vector<128x256xf32>
      %swap3A_103 = vector.shape_cast %dot_general3A_98 : vector<128x256xf32> to vector<1x128x256xf32>
      tpu.vector_store %arg14[%swap3A, %swap3A_99, %swap3A_100], %swap3A_103 {strides = array<i32>} : memref<8x128x256xf32, #tpu.memory_space<vmem>>, vector<1x128x256xf32>,
    } else {
    }
    %mul3A_76 = arith.constant 8 : i32
    %mul3A_77 = arith.muli %arg0, %mul3A_76 : i32
    %add3A_78 = arith.constant 6 : i32
    %add3A_79 = arith.addi %mul3A_77, %add3A_78 : i32
    %ge3A_80 = arith.constant 5 : i32
    %ge3A_81 = arith.cmpi sge, %add3A_79, %ge3A_80 : i32
    %convert_element_type3A_82 = arith.extui %ge3A_81 : i1 to i32
    %cond3A_83 = arith.constant 0 : i32
    %cond3A_84 = arith.cmpi ne, %convert_element_type3A_82, %cond3A_83 : i32
    scf.if %cond3A_84 {
      %get3A = arith.constant 0 : index
      %get3A_94 = arith.constant 0 : index
      %get3A_95 = arith.constant 0 : index
      %get3A_96 = vector.load %arg7[%get3A, %get3A_94, %get3A_95] : memref<1x256x128xf32, #tpu.memory_space<vmem>>, vector<1x256x128xf32>
      %get3A_97 = vector.shape_cast %get3A_96 : vector<1x256x128xf32> to vector<256x128xf32>
      %dot_general3A = arith.constant dense<0.000000e+00> : vector<128x256xf32>
      %dot_general3A_98 = tpu.matmul %convert_element_type3A_1, %get3A_97, %dot_general3A {dimension_numbers = #tpu.dot_dimension_numbers<[1], [1], [0], [0], [0, 0, 1, 0], [], []>, precision = #tpu.contract_precision<fp32>, transpose_lhs_hint = false} : vector<128x128xf32>, vector<256x128xf32>, vector<128x256xf32> -> vector<128x256xf32>
      %swap3A = arith.constant 6 : index
      %swap3A_99 = arith.constant 0 : index
      %swap3A_100 = arith.constant 0 : index
      %swap3A_101 = vector.load %arg14[%swap3A, %swap3A_99, %swap3A_100] : memref<8x128x256xf32, #tpu.memory_space<vmem>>, vector<1x128x256xf32>
      %swap3A_102 = vector.shape_cast %swap3A_101 : vector<1x128x256xf32> to vector<128x256xf32>
      %swap3A_103 = vector.shape_cast %dot_general3A_98 : vector<128x256xf32> to vector<1x128x256xf32>
      tpu.vector_store %arg14[%swap3A, %swap3A_99, %swap3A_100], %swap3A_103 {strides = array<i32>} : memref<8x128x256xf32, #tpu.memory_space<vmem>>, vector<1x128x256xf32>,
    } else {
    }
    %mul3A_85 = arith.constant 8 : i32
    %mul3A_86 = arith.muli %arg0, %mul3A_85 : i32
    %add3A_87 = arith.constant 7 : i32
    %add3A_88 = arith.addi %mul3A_86, %add3A_87 : i32
    %ge3A_89 = arith.constant 5 : i32
    %ge3A_90 = arith.cmpi sge, %add3A_88, %ge3A_89 : i32
    %convert_element_type3A_91 = arith.extui %ge3A_90 : i1 to i32
    %cond3A_92 = arith.constant 0 : i32
    %cond3A_93 = arith.cmpi ne, %convert_element_type3A_91, %cond3A_92 : i32
    scf.if %cond3A_93 {
      %get3A = arith.constant 0 : index
      %get3A_94 = arith.constant 0 : index
      %get3A_95 = arith.constant 0 : index
      %get3A_96 = vector.load %arg8[%get3A, %get3A_94, %get3A_95] : memref<1x256x128xf32, #tpu.memory_space<vmem>>, vector<1x256x128xf32>
      %get3A_97 = vector.shape_cast %get3A_96 : vector<1x256x128xf32> to vector<256x128xf32>
      %dot_general3A = arith.constant dense<0.000000e+00> : vector<128x256xf32>
      %dot_general3A_98 = tpu.matmul %convert_element_type3A_1, %get3A_97, %dot_general3A {dimension_numbers = #tpu.dot_dimension_numbers<[1], [1], [0], [0], [0, 0, 1, 0], [], []>, precision = #tpu.contract_precision<fp32>, transpose_lhs_hint = false} : vector<128x128xf32>, vector<256x128xf32>, vector<128x256xf32> -> vector<128x256xf32>
      %swap3A = arith.constant 7 : index
      %swap3A_99 = arith.constant 0 : index
      %swap3A_100 = arith.constant 0 : index
      %swap3A_101 = vector.load %arg14[%swap3A, %swap3A_99, %swap3A_100] : memref<8x128x256xf32, #tpu.memory_space<vmem>>, vector<1x128x256xf32>
      %swap3A_102 = vector.shape_cast %swap3A_101 : vector<1x128x256xf32> to vector<128x256xf32>
      %swap3A_103 = vector.shape_cast %dot_general3A_98 : vector<128x256xf32> to vector<1x128x256xf32>
      tpu.vector_store %arg14[%swap3A, %swap3A_99, %swap3A_100], %swap3A_103 {strides = array<i32>} : memref<8x128x256xf32, #tpu.memory_space<vmem>>, vector<1x128x256xf32>,
    } else {
    }
    return
  }
  func.func @transform_0(%arg0: i32) -> (i32, i32, i32) {
    %mul3A = arith.constant 8 : i32
    %mul3A_0 = arith.muli %arg0, %mul3A : i32
    %add3A = arith.constant 0 : i32
    %add3A_1 = arith.addi %mul3A_0, %add3A : i32
    %sub3A = arith.constant 5 : i32
    %sub3A_2 = arith.subi %add3A_1, %sub3A : i32
    %jit3A = arith.constant 0 : i32
    %jit3A_3 = arith.constant 195 : i32
    %max3A = arith.maxsi %jit3A, %sub3A_2 : i32
    %min3A = arith.minsi %jit3A_3, %max3A : i32
    %c0_i32 = arith.constant 0 : i32
    %c0_i32_4 = arith.constant 0 : i32
    %c0_i32_5 = arith.constant 0 : i32
    return %min3A, %c0_i32, %c0_i32_4 : i32, i32, i32
  }
  func.func @transform_1(%arg0: i32) -> (i32, i32, i32) {
    %mul3A = arith.constant 8 : i32
    %mul3A_0 = arith.muli %arg0, %mul3A : i32
    %add3A = arith.constant 1 : i32
    %add3A_1 = arith.addi %mul3A_0, %add3A : i32
    %sub3A = arith.constant 5 : i32
    %sub3A_2 = arith.subi %add3A_1, %sub3A : i32
    %jit3A = arith.constant 0 : i32
    %jit3A_3 = arith.constant 195 : i32
    %max3A = arith.maxsi %jit3A, %sub3A_2 : i32
    %min3A = arith.minsi %jit3A_3, %max3A : i32
    %c0_i32 = arith.constant 0 : i32
    %c0_i32_4 = arith.constant 0 : i32
    %c0_i32_5 = arith.constant 0 : i32
    return %min3A, %c0_i32, %c0_i32_4 : i32, i32, i32
  }
  func.func @transform_2(%arg0: i32) -> (i32, i32, i32) {
    %mul3A = arith.constant 8 : i32
    %mul3A_0 = arith.muli %arg0, %mul3A : i32
    %add3A = arith.constant 2 : i32
    %add3A_1 = arith.addi %mul3A_0, %add3A : i32
    %sub3A = arith.constant 5 : i32
    %sub3A_2 = arith.subi %add3A_1, %sub3A : i32
    %jit3A = arith.constant 0 : i32
    %jit3A_3 = arith.constant 195 : i32
    %max3A = arith.maxsi %jit3A, %sub3A_2 : i32
    %min3A = arith.minsi %jit3A_3, %max3A : i32
    %c0_i32 = arith.constant 0 : i32
    %c0_i32_4 = arith.constant 0 : i32
    %c0_i32_5 = arith.constant 0 : i32
    return %min3A, %c0_i32, %c0_i32_4 : i32, i32, i32
  }
  func.func @transform_3(%arg0: i32) -> (i32, i32, i32) {
    %mul3A = arith.constant 8 : i32
    %mul3A_0 = arith.muli %arg0, %mul3A : i32
    %add3A = arith.constant 3 : i32
    %add3A_1 = arith.addi %mul3A_0, %add3A : i32
    %sub3A = arith.constant 5 : i32
    %sub3A_2 = arith.subi %add3A_1, %sub3A : i32
    %jit3A = arith.constant 0 : i32
    %jit3A_3 = arith.constant 195 : i32
    %max3A = arith.maxsi %jit3A, %sub3A_2 : i32
    %min3A = arith.minsi %jit3A_3, %max3A : i32
    %c0_i32 = arith.constant 0 : i32
    %c0_i32_4 = arith.constant 0 : i32
    %c0_i32_5 = arith.constant 0 : i32
    return %min3A, %c0_i32, %c0_i32_4 : i32, i32, i32
  }
  func.func @transform_4(%arg0: i32) -> (i32, i32, i32) {
    %mul3A = arith.constant 8 : i32
    %mul3A_0 = arith.muli %arg0, %mul3A : i32
    %add3A = arith.constant 4 : i32
    %add3A_1 = arith.addi %mul3A_0, %add3A : i32
    %sub3A = arith.constant 5 : i32
    %sub3A_2 = arith.subi %add3A_1, %sub3A : i32
    %jit3A = arith.constant 0 : i32
    %jit3A_3 = arith.constant 195 : i32
    %max3A = arith.maxsi %jit3A, %sub3A_2 : i32
    %min3A = arith.minsi %jit3A_3, %max3A : i32
    %c0_i32 = arith.constant 0 : i32
    %c0_i32_4 = arith.constant 0 : i32
    %c0_i32_5 = arith.constant 0 : i32
    return %min3A, %c0_i32, %c0_i32_4 : i32, i32, i32
  }
  func.func @transform_5(%arg0: i32) -> (i32, i32, i32) {
    %mul3A = arith.constant 8 : i32
    %mul3A_0 = arith.muli %arg0, %mul3A : i32
    %add3A = arith.constant 5 : i32
    %add3A_1 = arith.addi %mul3A_0, %add3A : i32
    %sub3A = arith.constant 5 : i32
    %sub3A_2 = arith.subi %add3A_1, %sub3A : i32
    %jit3A = arith.constant 0 : i32
    %jit3A_3 = arith.constant 195 : i32
    %max3A = arith.maxsi %jit3A, %sub3A_2 : i32
    %min3A = arith.minsi %jit3A_3, %max3A : i32
    %c0_i32 = arith.constant 0 : i32
    %c0_i32_4 = arith.constant 0 : i32
    %c0_i32_5 = arith.constant 0 : i32
    return %min3A, %c0_i32, %c0_i32_4 : i32, i32, i32
  }
  func.func @transform_6(%arg0: i32) -> (i32, i32, i32) {
    %mul3A = arith.constant 8 : i32
    %mul3A_0 = arith.muli %arg0, %mul3A : i32
    %add3A = arith.constant 6 : i32
    %add3A_1 = arith.addi %mul3A_0, %add3A : i32
    %sub3A = arith.constant 5 : i32
    %sub3A_2 = arith.subi %add3A_1, %sub3A : i32
    %jit3A = arith.constant 0 : i32
    %jit3A_3 = arith.constant 195 : i32
    %max3A = arith.maxsi %jit3A, %sub3A_2 : i32
    %min3A = arith.minsi %jit3A_3, %max3A : i32
    %c0_i32 = arith.constant 0 : i32
    %c0_i32_4 = arith.constant 0 : i32
    %c0_i32_5 = arith.constant 0 : i32
    return %min3A, %c0_i32, %c0_i32_4 : i32, i32, i32
  }
  func.func @transform_7(%arg0: i32) -> (i32, i32, i32) {
    %mul3A = arith.constant 8 : i32
    %mul3A_0 = arith.muli %arg0, %mul3A : i32
    %add3A = arith.constant 7 : i32
    %add3A_1 = arith.addi %mul3A_0, %add3A : i32
    %sub3A = arith.constant 5 : i32
    %sub3A_2 = arith.subi %add3A_1, %sub3A : i32
    %jit3A = arith.constant 0 : i32
    %jit3A_3 = arith.constant 195 : i32
    %max3A = arith.maxsi %jit3A, %sub3A_2 : i32
    %min3A = arith.minsi %jit3A_3, %max3A : i32
    %c0_i32 = arith.constant 0 : i32
    %c0_i32_4 = arith.constant 0 : i32
    %c0_i32_5 = arith.constant 0 : i32
    return %min3A, %c0_i32, %c0_i32_4 : i32, i32, i32
  }
  func.func @transform_8(%arg0: i32) -> (i32, i32, i32) {
    %mul3A = arith.constant 8 : i32
    %mul3A_0 = arith.muli %arg0, %mul3A : i32
    %add3A = arith.constant 0 : i32
    %add3A_1 = arith.addi %mul3A_0, %add3A : i32
    %min3A = arith.constant 4 : i32
    %min3A_2 = arith.minsi %add3A_1, %min3A : i32
    %c0_i32 = arith.constant 0 : i32
    %c0_i32_3 = arith.constant 0 : i32
    %c0_i32_4 = arith.constant 0 : i32
    return %min3A_2, %c0_i32, %c0_i32_3 : i32, i32, i32
  }
  func.func @transform_9(%arg0: i32) -> (i32, i32, i32) {
    %mul3A = arith.constant 8 : i32
    %mul3A_0 = arith.muli %arg0, %mul3A : i32
    %add3A = arith.constant 1 : i32
    %add3A_1 = arith.addi %mul3A_0, %add3A : i32
    %min3A = arith.constant 4 : i32
    %min3A_2 = arith.minsi %add3A_1, %min3A : i32
    %c0_i32 = arith.constant 0 : i32
    %c0_i32_3 = arith.constant 0 : i32
    %c0_i32_4 = arith.constant 0 : i32
    return %min3A_2, %c0_i32, %c0_i32_3 : i32, i32, i32
  }
  func.func @transform_10(%arg0: i32) -> (i32, i32, i32) {
    %mul3A = arith.constant 8 : i32
    %mul3A_0 = arith.muli %arg0, %mul3A : i32
    %add3A = arith.constant 2 : i32
    %add3A_1 = arith.addi %mul3A_0, %add3A : i32
    %min3A = arith.constant 4 : i32
    %min3A_2 = arith.minsi %add3A_1, %min3A : i32
    %c0_i32 = arith.constant 0 : i32
    %c0_i32_3 = arith.constant 0 : i32
    %c0_i32_4 = arith.constant 0 : i32
    return %min3A_2, %c0_i32, %c0_i32_3 : i32, i32, i32
  }
  func.func @transform_11(%arg0: i32) -> (i32, i32, i32) {
    %mul3A = arith.constant 8 : i32
    %mul3A_0 = arith.muli %arg0, %mul3A : i32
    %add3A = arith.constant 3 : i32
    %add3A_1 = arith.addi %mul3A_0, %add3A : i32
    %min3A = arith.constant 4 : i32
    %min3A_2 = arith.minsi %add3A_1, %min3A : i32
    %c0_i32 = arith.constant 0 : i32
    %c0_i32_3 = arith.constant 0 : i32
    %c0_i32_4 = arith.constant 0 : i32
    return %min3A_2, %c0_i32, %c0_i32_3 : i32, i32, i32
  }
  func.func @transform_12(%arg0: i32) -> (i32, i32, i32) {
    %mul3A = arith.constant 8 : i32
    %mul3A_0 = arith.muli %arg0, %mul3A : i32
    %add3A = arith.constant 4 : i32
    %add3A_1 = arith.addi %mul3A_0, %add3A : i32
    %min3A = arith.constant 4 : i32
    %min3A_2 = arith.minsi %add3A_1, %min3A : i32
    %c0_i32 = arith.constant 0 : i32
    %c0_i32_3 = arith.constant 0 : i32
    %c0_i32_4 = arith.constant 0 : i32
    return %min3A_2, %c0_i32, %c0_i32_3 : i32, i32, i32
  }
  func.func @transform_13(%arg0: i32) -> (i32, i32, i32) {
    %c0_i32 = arith.constant 0 : i32
    %c0_i32_0 = arith.constant 0 : i32
    %c0_i32_1 = arith.constant 0 : i32
    return %arg0, %c0_i32, %c0_i32_0 : i32, i32, i32
  }
}

</mosaic_0001>

<sc_bundles>
// kernel: kernel.4.cloned.1.call-start
scs
__scs_entry_jumppad:
0x0: {  	(pc) =	sbr.rel $0x88, $3  }
0x1: {  	(tag) =	ssettag $0x0;
	lr =	simm.s32 $0x1  }
0x2: {  	[smem:$0x3F9E] =	sst lr;
	_ =	strace $0xD0000000  }
0x3: {  	_ = 	snop  }
0x4: {  	_ = 	snop  }
0x5: {  	_ = 	snop  }
0x6: {  	_ = 	snop  }
0x7: {  	_ = 	snop  }
__scs_overlays_trampoline_lowered:
0x8: {  	[smem:$0x3FAD] =	sst s0  }
0x9: {  	[smem:$0x3FAE] =	sst s1  }
0xa: {  	[smem:$0x3FAF] =	sst s2  }
0xb: {  	[smem:$0x3FB0] =	sst s3  }
0xc: {  	[smem:$0x3FB1] =	sst s4  }
0xd: {  	[smem:$0x3FB2] =	sst s5  }
0xe: {  	[smem:$0x3FB3] =	sst s6  }
0xf: {  	[smem:$0x3FB4] =	sst s7  }
0x10: {  	[smem:$0x3FB5] =	sst s8  }
0x11: {  	[smem:$0x3FB6] =	sst s9;
	s0 =	simm.s32 @!p0 $0x0  }
0x12: {  	s1 =	sld [smem:$0x3F9C];
	s0 =	simm.s32 @p0 $0x1  }
0x13: {  	[smem:$0x3FB7] =	sst s0;
	s0 =	simm.s32 @!p1 $0x0  }
0x14: {  	s2 =	sld [smem:$0x3F9B];
	s0 =	simm.s32 @p1 $0x1  }
0x15: {  	[smem:$0x3FB8] =	sst s0;
	s0 =	simm.s32 @!p2 $0x0  }
0x16: {  	s3 =	sld [smem:$0x3FDB];
	s0 =	simm.s32 @p2 $0x1  }
0x17: {  	s4 =	simm.s32 $0x1BF5;
	[smem:$0x3FBA] =	sst s0  }
0x18: {  	s0 =	sld [smem:$0x3F9D];
	_ =	swait.ge [sflag:s4], $0x0  }
0x19: {  	s7 =	sld [smem:$0x3F9E]  }
0x1a: {  	s8 =	sadd.s32 $0xFFFFE003, lr  }
0x1b: {  	s9 =	sadd.s32 $0xFFFFFEF7, lr;
	s5 =	simm.s32 $0xFFFFFFFF;
	p2 =	slt.u32 s8, $0xFFFFF086  }
0x1c: {  	p1 =	slt.u32 s9, $0xF7A;
	s5 =	simm.s32 @!p2 $0x0  }
0x1d: {  	s5 =	simm.s32 @p1 $0x1;
	p0 =	seq.s32 s7, s2  }
0x1e: {  	s7 =	smul.u32 @!p0 $0xF7A, s2;
	p2 =	seq.s32 @!p0 s5, $0x0  }
0x1f: {  	s9 =	smul.u32 $0xF7A, s1;
	s8 =	simm.s32 @!p0 $0x1BF5;
	p2 =	por !p2, p0  }
0x20: {  	[sflag:s8] =	ssyncset.s32 @!p0 $0xFFFFF086;
	s6 =	sadd.s32 @!p0 s3, s7;
	s7 =	simm.s32 @!p0 $0x108  }
0x21: {  	s3 =	sadd.s32 s3, s9;
	s6 =	sadd.s32 @!p0 $0x88, s6;
	s7 =	simm.s32 @p2 $0x1082  }
0x22: {  	[simem:s7], [sflag:s8] =	dma.local @!p0 [hbm:s6], $0xF7A  }
0x23: {  	s9 =	sor.u32 $0xD0000000, s2;
	s6 =	simm.s32 $0x108;
	_ =	swait.ge @!p0 [sflag:s8], $0x0  }
0x24: {  	s3 =	sadd.s32 $0x88, s3;
	s6 =	simm.s32 @!p1 $0x1082;
	[sflag:s4] =	ssyncset.s32 $0xFFFFF086  }
0x25: {  	[simem:s6], [sflag:s4] =	dma.local [hbm:s3], $0xF7A  }
0x26: {  	[smem:$0x3F9E] =	sst s1;
	(tag) =	ssettag s2;
	_ =	strace s9  }
0x27: {  	s1 =	sld [smem:$0x3FAE]  }
0x28: {  	s2 =	sld [smem:$0x3FAF]  }
0x29: {  	s4 =	sld [smem:$0x3FB1]  }
0x2a: {  	p0 =	seq.s32 s5, $0x0;
	s5 =	sld [smem:$0x3FB2]  }
0x2b: {  	s6 =	sld [smem:$0x3FB3]  }
0x2c: {  	s7 =	sld [smem:$0x3FB4]  }
0x2d: {  	s3 =	simm.s32 $0x108;
	s8 =	sld [smem:$0x3FB5]  }
0x2e: {  	s3 =	simm.s32 @!p0 $0x1082;
	s9 =	sld [smem:$0x3FB6]  }
0x2f: {  	lr =	sadd.s32 s0, s3;
	s0 =	sld [smem:$0x3FAD]  }
0x30: {  	s3 =	sld [smem:$0x3FB0]  }
0x31: {  	[smem:$0x3FB9] =	sst s10  }
0x32: {  	s10 =	sld [smem:$0x3FB7];
	_ =	sdelay $0x3  }
0x33: {  	p0 =	seq.s32 s10, $0x1;
	s10 =	sld [smem:$0x3FB9];
	_ =	sdelay $0x3  }
0x34: {  	[smem:$0x3FB9] =	sst s10  }
0x35: {  	s10 =	sld [smem:$0x3FB8];
	_ =	sdelay $0x3  }
0x36: {  	p1 =	seq.s32 s10, $0x1;
	s10 =	sld [smem:$0x3FB9];
	_ =	sdelay $0x3  }
0x37: {  	[smem:$0x3FB9] =	sst s10  }
0x38: {  	s10 =	sld [smem:$0x3FBA]  }
0x39: {  	_ = 	snop;
	(pc) =	sbr.ind lr, $3  }
0x3a: {  	_ = 	snop  }
0x3b: {  	_ = 	snop  }
0x3c: {  	p2 =	seq.s32 s10, $0x1;
	s10 =	sld [smem:$0x3FB9]  }
0x3d: {  	_ =	shalt  }
0x3e: {  	_ =	shalt  }
0x3f: {  	_ =	shalt  }
0x40: {  	_ =	shalt  }
0x41: {  	_ =	shalt  }
0x42: {  	_ =	shalt  }
0x43: {  	_ =	shalt  }
0x44: {  	_ =	shalt  }
0x45: {  	_ =	shalt  }
0x46: {  	_ =	shalt  }
0x47: {  	_ =	shalt  }
0x48: {  	_ =	shalt  }
0x49: {  	_ =	shalt  }
0x4a: {  	_ =	shalt  }
0x4b: {  	_ =	shalt  }
0x4c: {  	_ =	shalt  }
0x4d: {  	_ =	shalt  }
0x4e: {  	_ =	shalt  }
0x4f: {  	_ =	shalt  }
0x50: {  	_ =	shalt  }
0x51: {  	_ =	shalt  }
0x52: {  	_ =	shalt  }
0x53: {  	_ =	shalt  }
0x54: {  	_ =	shalt  }
0x55: {  	_ =	shalt  }
0x56: {  	_ =	shalt  }
0x57: {  	_ =	shalt  }
0x58: {  	_ =	shalt  }
0x59: {  	_ =	shalt  }
0x5a: {  	_ =	shalt  }
0x5b: {  	_ =	shalt  }
0x5c: {  	_ =	shalt  }
0x5d: {  	_ =	shalt  }
0x5e: {  	_ =	shalt  }
0x5f: {  	_ =	shalt  }
0x60: {  	_ =	shalt  }
0x61: {  	_ =	shalt  }
0x62: {  	_ =	shalt  }
0x63: {  	_ =	shalt  }
0x64: {  	_ =	shalt  }
0x65: {  	_ =	shalt  }
0x66: {  	_ =	shalt  }
0x67: {  	_ =	shalt  }
0x68: {  	_ =	shalt  }
0x69: {  	_ =	shalt  }
0x6a: {  	_ =	shalt  }
0x6b: {  	_ =	shalt  }
0x6c: {  	_ =	shalt  }
0x6d: {  	_ =	shalt  }
0x6e: {  	_ =	shalt  }
0x6f: {  	_ =	shalt  }
0x70: {  	_ =	shalt  }
0x71: {  	_ =	shalt  }
0x72: {  	_ =	shalt  }
0x73: {  	_ =	shalt  }
0x74: {  	_ =	shalt  }
0x75: {  	_ =	shalt  }
0x76: {  	_ =	shalt  }
0x77: {  	_ =	shalt  }
0x78: {  	_ =	shalt  }
0x79: {  	_ =	shalt  }
0x7a: {  	_ =	shalt  }
0x7b: {  	_ =	shalt  }
0x7c: {  	_ =	shalt  }
0x7d: {  	_ =	shalt  }
0x7e: {  	_ =	shalt  }
0x7f: {  	_ =	shalt  }
0x80: {  	_ =	shalt  }
0x81: {  	_ =	shalt  }
0x82: {  	_ =	shalt  }
0x83: {  	_ =	shalt  }
0x84: {  	_ =	shalt  }
0x85: {  	_ =	shalt  }
0x86: {  	_ =	shalt  }
0x87: {  	_ =	shalt  }
.Lfunc_end0:
.L_simem_size_0:
called_computation_lowered:
.L_overlay_start_0:
0x88: {  	s2 =	sld [smem:$0x3FD9]  }
0x89: {  	s3 =	sld [smem:$0x3FFE];
	_ =	sdelay $0x1  }
0x8a: {  	s1 =	srdreg.scid  }
0x8b: {  	s0 =	sand.u32 $0x1, s1  }
0x8c: {  	s18 =	sshll.u32 s0, $0xA;
	s2 =	sadd.s32 s3, s2  }
0x8d: {  	s2 =	sadd.s32 s2, s18  }
0x8e: {  	[smem:$0x3FC5] =	sst s2  }
0x8f: {  	_ = 	snop  }
0x90: {  	s2 =	sld [smem:$0x3FC8]  }
0x91: {  	s19 =	sld [smem:$0x3FC7]  }
0x92: {  	s4 =	sld [smem:$0x3FD0];
	(tm) =	ssettm $0x1  }
0x93: {  	s5 =	sld [smem:$0x3FFB];
	_ =	sdelay $0x3  }
0x94: {  	_ =	strace s5  }
0x95: {  	s5 =	sld [smem:$0x3FFC];
	_ =	sdelay $0x3  }
0x96: {  	_ =	strace s5  }
0x97: {  	s5 =	sld [smem:$0x3FFD];
	_ =	sdelay $0x3  }
0x98: {  	_ =	strace s5  }
0x99: {  	_ =	strace $0x8FFFFFFF  }
0x9a: {  	s20 =	sld [smem:$0x3FDB];
	_ =	sdelay $0x1  }
0x9b: {  	s6 =	simm.s32 $_scs_section_size  }
0x9c: {  	s7 =	simm.s32 $_size__tile_overlayer_lowered;
	s8 =	simm.s32 $_tile_overlayer_lowered  }
0x9d: {  	s23 =	simm.s32 $0x1BFF;
	s22 =	sshll.u32 s8, $0x1;
	s5 =	sadd.s32 s6, s20  }
0x9e: {  	s9 =	simm.s32 $0x0;
	s21 =	sshll.u32 s7, $0x1;
	s7 =	sadd.s32 s22, s5  }
0x9f: {  	[timem:s9], [sflag:s23] =	dma.local [hbm:s7], s21  }
0xa0: {  	_ =	swait.ge [sflag:s23], s21  }
0xa1: {  	s6 =	ssub.s32 $0x0, s21;
	[sflag:s23] =	ssyncset.done $0x0  }
0xa2: {  	[sflag:s23] =	ssyncadd.s32 s6;
	_ =	sdelay $0x1  }
0xa3: {  	s24 =	simm.s32 $0x1B8B  }
0xa4: {  	_ =	swait.ge [sflag:s24], $0x1  }
0xa5: {  	[sflag:s24] =	ssyncset.done $0x0  }
0xa6: {  	s25 =	simm.s32 $0x1B8E;
	[sflag:s24] =	ssyncadd.s32 $0xFFFFFFFF  }
0xa7: {  	s26 =	simm.s32 $execute0_lowered;
	[smem:$0x3FD2] =	sst s25  }
0xa8: {  	s6 =	sshll.u32 s26, $0x1;
	_ =	strace $0x80000046;
	[dreg:$0x1] =	wrdreg $0xFFFFFFFF  }
0xa9: {  	s28 =	simm.s32 $_size_execute0_lowered;
	s5 =	sadd.s32 s5, s6;
	[dreg:$0x0] =	wrdreg $0x0  }
0xaa: {  	s6 =	sshll.u32 s28, $0x1;
	[dreg:$0x2] =	wrdreg s5  }
0xab: {  	[dreg:$0x3] =	wrdreg s6  }
0xac: {  	[dreg:$0x4] =	wrdreg $0xC0  }
0xad: {  	_ =	task [dreg:s9], $0x5FFFF  }
0xae: {  	[dreg:$0x1] =	wrdreg $0xFFFFFFFF  }
0xaf: {  	[dreg:$0x0] =	wrdreg $0x60  }
0xb0: {  	[dreg:$0x2] =	wrdreg s2  }
0xb1: {  	[dreg:$0x3] =	wrdreg s19  }
0xb2: {  	[dreg:$0x4] =	wrdreg s4  }
0xb3: {  	[dreg:$0x5] =	wrdreg $0x9  }
0xb4: {  	_ =	task.clear_ibuf [dreg:s9], $0x6FFFF;
	_ =	strace $0x90000046  }
0xb5: {  	s29 =	simm.s32 $0x9;
	_ =	strace $0x80000048  }
0xb6: {  	_ =	swait.ge [sflag:s29], $0x1  }
0xb7: {  	[sflag:s29] =	ssyncadd.s32 $0xFFFFFFFF  }
0xb8: {  	_ =	strace $0x90000048  }
0xb9: {  	_ =	sfence  }
0xba: {  	s30 =	sld [smem:$0x0];
	_ =	sdelay $0x2  }
0xbb: {  	s31 =	sshll.u32 s1, $0xD;
	s1 =	sshrl.u32 s1, $0x2  }
0xbc: {  	s3 =	sand.u32 $0x4000, s31;
	s1 =	sadd.s32 s1, s30  }
0xbd: {  	s0 =	sor.u32 s3, s0;
	s1 =	sshll.u32 s1, $0x11  }
0xbe: {  	s0 =	sor.u32 s1, s0  }
0xbf: {  	s0 =	sadd.s32 $0x8F2B, s0  }
0xc0: {  	[sflag:s0] =	ssyncadd.remote.s32 $0x1  }
0xc1: {  	_ =	sfence.sel $0xFFFF  }
0xc2: {  	[dreg:$0x0] =	wrdreg $0xFFFFFFFF;
	(pc) =	sbr.abs _section_cstart, $3  }
0xc3: {  	[dreg:$0x1] =	wrdreg $0xFFFFFFFF  }
0xc4: {  	_ =	task.clear_ibuf [dreg:s9], $0x2FFFF;
	_ =	strace $0x9FFFFFFF  }
0xc5: {  	(tm) =	ssettm $0x7FFFFFFF  }
tec
execute0_lowered:
.L_overlay_start_1:
0x0: {  	(tag) =	ssettag $0x1  }
0x1: {  	s0 =	srdreg.scid  }
0x2: {  	s7 =	sand.u32 $0x1, s0;
	s0 =	stileid.u32  }
0x3: {  	s5 =	sshll.u32 s0, $0x1;
	s6 =	ssub.s32 $0x0, s7  }
0x4: {  	p0 =	sne.s32 s5, s6  }
.Ltmp0:
0x5: {  	_ = 	snop;
	(pc) =	sbr.rel @p0 .LBB2_4-.Ltmp0, $4  }
0x6: {  	s2 =	rddreg [dreg:$0x0]  }
0x7: {  	s3 =	rddreg [dreg:$0x1]  }
0x8: {  	s4 =	rddreg [dreg:$0x2]  }
0x9: {  	s1 =	rddreg [dreg:$0x3];
	_ =	strace $0x80000047  }
0xa: {  	s6 =	simm.s32 $0x0;
	s5 =	simm.s32 $0x2  }
0xb: {  	[tilespmem:s6], [sflag:$0x2] =	stream.linear.gather [hbm4b:s2+s6], $0x80, $0x38;
	[tilespmem:$0x880] =	vst v63  }
0xc: {  	_ =	swait.ge [sflag:s5], $0x80  }
0xd: {  	[sflag:s5] =	ssyncset.done $0x0  }
0xe: {  	[sflag:s5] =	ssyncadd.s32 $0xFFFFFF80  }
0xf: {  	v0 =	vld.msk [tilespmem:$0x0], $0x1f;
	_ =	sdelay $0x4  }
0x10: {  	v1 =	vshll.u32 v0, $0x1  }
0x11: {  	v2 =	vlaneseq.u32;
	v3 =	vand.u32 $0x7, v0;
	v1 =	vand.u32 $0xFFFFFFF0, v1  }
0x12: {  	v0 =	vand.u32 $0x7, v2;
	v2 =	vshrl.u32 v2, $0x3;
	v3 =	vor.u32 v3, v1  }
0x13: {  	v1 =	vmul.u32 $0x8, v2;
	v2 =	vperm.xlane v3, v0;
	_ =	sdelay $0x1  }
0x14: {  	v2 =	vadd.s32 v1, v2  }
0x15: {  	s9 =	ssub.s32 $0x2, s7  }
0x16: {  	s10 =	sshrl.u32 s9, $0x1  }
0x17: {  	vm0 =	vcmask $0x3320;
	vm1 =	vcmask $0x1300;
	s9 =	ssub.s32 s9, s10  }
0x18: {  	s7 =	simm.s32 $0x80;
	s8 =	simm.s32 $0x1;
	vm0 =	vmor vm1, vm0;
	s9 =	smax.u32 s9, $0x1  }
0x19: {  	[tilespmem:s7], [sflag:$0x1] =	stream.indirect_vreg.gather [hbm4b:s3+s6], $0x80, v2, vm0, $0xb8;
	[tilespmem:$0x880] =	vst v63  }
0x1a: {  	p0 =	sne.s32 s9, $0x1;
	_ =	swait.ge [sflag:s8], $0x500  }
.Ltmp1:
0x1b: {  	[sflag:s8] =	ssyncset.done $0x0;
	(pc) =	sbr.rel @!p0 .LBB2_3-.Ltmp1, $4  }
0x1c: {  	[sflag:s8] =	ssyncadd.s32 $0xFFFFFB00  }
0x1d: {  	[hbm4b:s4+s6] =	stream.linear.scatter [tilespmem:s7], [sflag:$0x2], $0x800, $0x38;
	[tilespmem:$0x880] =	vst v63  }
0x1e: {  	_ =	swait.ge [sflag:s5], $0x800  }
0x1f: {  	s9 =	sadd.s32 $0xFFFFFFFF, s9;
	[sflag:s5] =	ssyncset.done $0x0  }
.LBB2_2:
0x20: {  	p0 =	sne.s32 s9, $0x1;
	s9 =	sadd.s32 $0xFFFFFFFF, s9;
	[sflag:s5] =	ssyncadd.s32 $0xFFFFF800  }
0x21: {  	[tilespmem:s6], [sflag:$0x2] =	stream.linear.gather [hbm4b:s2+s6], $0x80, $0x38;
	[tilespmem:$0x880] =	vst v63  }
0x22: {  	_ =	swait.ge [sflag:s5], $0x80  }
0x23: {  	[sflag:s5] =	ssyncset.done $0x0  }
0x24: {  	[sflag:s5] =	ssyncadd.s32 $0xFFFFFF80  }
0x25: {  	v2 =	vld.msk [tilespmem:$0x0], $0x1f;
	_ =	sdelay $0x4  }
0x26: {  	v3 =	vshll.u32 v2, $0x1  }
0x27: {  	v2 =	vand.u32 $0x7, v2;
	v3 =	vand.u32 $0xFFFFFFF0, v3  }
0x28: {  	v2 =	vor.u32 v2, v3  }
0x29: {  	v2 =	vperm.xlane v2, v0;
	_ =	sdelay $0x1  }
0x2a: {  	v2 =	vadd.s32 v1, v2;
	_ =	sdelay $0x4  }
0x2b: {  	[tilespmem:s7], [sflag:$0x1] =	stream.indirect_vreg.gather [hbm4b:s3+s6], $0x80, v2, vm0, $0xb8;
	[tilespmem:$0x880] =	vst v63  }
0x2c: {  	_ =	swait.ge [sflag:s8], $0x500  }
.Ltmp2:
0x2d: {  	[sflag:s8] =	ssyncset.done $0x0;
	(pc) =	sbr.rel @p0 .LBB2_2-.Ltmp2, $4  }
0x2e: {  	[sflag:s8] =	ssyncadd.s32 $0xFFFFFB00  }
0x2f: {  	[hbm4b:s4+s6] =	stream.linear.scatter [tilespmem:s7], [sflag:$0x2], $0x800, $0x38;
	[tilespmem:$0x880] =	vst v63  }
0x30: {  	_ =	swait.ge [sflag:s5], $0x800  }
0x31: {  	[sflag:s5] =	ssyncset.done $0x0  }
.LBB2_3:
0x32: {  	[sflag:s5] =	ssyncadd.s32 $0xFFFFF800  }
.LBB2_4:
0x33: {  	_ =	sfence.sel $0x180000  }
0x34: {  	[bflag:$0x0] =	sbarrier.arrive $0xFFFF  }
0x35: {  	p0 =	sne.s32 s0, $0x0;
	_ =	strace $0x90000047  }
0x36: {  	s0 =	sadd.s32 @!p0 $0x100000, s1;
	[bflag:$0x2] =	sbarrier.arrive $0xFFFF  }
0x37: {  	[sflag:s0] =	ssyncadd.tile.s32 @!p0 $0x1;
	_ =	shalt  }
.Lfunc_end2:
_tile_overlayer_lowered:
.L_overlay_start_2:
0x38: {  	(tag) =	ssettag $0x2  }
0x39: {  	s0 =	rddreg [dreg:$0x0];
	s2 =	stileid.u32  }
0x3a: {  	s1 =	rddreg [dreg:$0x1];
	p0 =	sne.s32 s2, $0x0  }
0x3b: {  	s3 =	rddreg [dreg:$0x2];
	[bflag:$0x3] =	sbarrier.arrive $0xFFFF;
	s2 =	simm.s32 @!p0 $0x1C02  }
0x3c: {  	[timem:s3], [sflag:s2] =	dma.local @!p0 [hbm:s0], s1  }
0x3d: {  	s0 =	simm.s32 @!p0 $0x2  }
0x3e: {  	_ =	swait.ge @!p0 [sflag:s0], s1  }
0x3f: {  	s1 =	ssub.s32 @!p0 $0x0, s1;
	[sflag:s0] =	ssyncset.done @!p0 $0x0  }
0x40: {  	[sflag:s0] =	ssyncadd.s32 @!p0 s1  }
0x41: {  	[bflag:$0x3] =	sbarrier.arrive $0xFFFF  }
0x42: {  	_ =	shalt  }

</sc_bundles>
